<compile_context>
chip_gen: v7x
topology: tpu7x:2x2x1
jax: 0.10.2.dev20260603
libtpu: 0.0.44.dev20260713+nightly
codegen_flags: <defaults>
</compile_context>

<pallas_src>
import functools

import jax
import jax.numpy as jnp
from jax import lax
from jax.experimental import pallas as pl
from jax.experimental.pallas import tpu as pltpu
from jax.experimental.pallas import tpu_sc as plsc

_B = 32
_N_VERTS = 100000
_N_FACES = 200000
_NW = 32
_CHUNK = 128
_K = 50
_F_PAD = _NW * _K * _CHUNK
_D = _B * 3
_NSL = _D // 16


def _edge_kernel(table_hbm, fidx_hbm, out_hbm, idx_v, rows_v, acc_v, sem):
    wid = lax.axis_index("s") * 2 + lax.axis_index("c")

    def chunk_body(k, accs):
        pltpu.sync_copy(fidx_hbm.at[wid, k], idx_v)
        h = []
        for j in range(3):
            h.append(pltpu.async_copy(
                table_hbm.at[idx_v.at[j]],
                rows_v.at[pl.ds(j * _CHUNK, _CHUNK)], sem))
        for j in range(3):
            h[j].wait()

        def face_body(f, accs):
            r = 3 * f
            out = []
            for s in range(_NSL):
                sl = pl.ds(s * 16, 16)
                a = rows_v[r, sl]
                b = rows_v[r + 1, sl]
                c = rows_v[r + 2, sl]
                t = jnp.abs(b - a) + jnp.abs(c - a) + jnp.abs(b - c)
                out.append(accs[s] + t)
            return tuple(out)

        return lax.fori_loop(0, _CHUNK, face_body, accs)

    zero = jnp.zeros((16,), jnp.float32)
    accs = lax.fori_loop(0, _K, chunk_body, (zero,) * _NSL)
    for s in range(_NSL):
        acc_v[pl.ds(s * 16, 16)] = accs[s]
    pltpu.sync_copy(acc_v, out_hbm.at[wid])


@jax.jit
def _edge_loss(table, fidx):
    mesh = plsc.VectorSubcoreMesh(core_axis_name="c", subcore_axis_name="s")
    partial = pl.kernel(
        _edge_kernel,
        mesh=mesh,
        out_type=jax.ShapeDtypeStruct((_NW, _D), jnp.float32),
        scratch_types=[
            pltpu.VMEM((3, _CHUNK), jnp.int32),
            pltpu.VMEM((3 * _CHUNK, _D), jnp.float32),
            pltpu.VMEM((_D,), jnp.float32),
            pltpu.SemaphoreType.DMA,
        ],
        compiler_params=pltpu.CompilerParams(use_tc_tiling_on_sc=False),
    )(table, fidx)
    return jnp.sum(partial) / (_B * _N_FACES * 3)


def kernel(v, faces):
    table = jnp.transpose(v, (1, 0, 2)).reshape(_N_VERTS, _D)
    f = faces.astype(jnp.int32)
    f = jnp.concatenate(
        [f, jnp.zeros((_F_PAD - _N_FACES, 3), jnp.int32)]).reshape(
            _NW, _K, 3, _CHUNK)
    return _edge_loss(table, f)

# --- scband reference (transcript-rebuilt; emitter-appended) ---
"""Pipeline reference for scband-edgeloss-25434796327110 (READ-ONLY COPY).

The authoritative reference and input builder live on the scoring server;
editing this copy changes nothing except your own understanding.
"""

import jax, jax.numpy as jnp
import numpy as np

B, N_VERTS, N_FACES = 32, 100000, 200000

def setup_inputs(seed: int = 0) -> dict:
    key = jax.random.key(seed)
    k1, k2 = jax.random.split(key)
    v = jax.random.normal(k1, (B, N_VERTS, 3), dtype=jnp.float32)
    faces = jax.random.randint(k2, (N_FACES, 3), 0, N_VERTS, dtype=jnp.int64)
    return {"v": v, "faces": faces}

def reference(v, faces):
    batch_size = v.shape[0]
    n_faces = faces.shape[0]
    f = faces.reshape(-1)
    # index_select along dim=1 -> gather vertex coords per face corner
    f_v = jnp.take(v, f, axis=1)
    f_v = f_v.reshape(batch_size, n_faces, 3, 3)
    ab = f_v[:, :, 1, :] - f_v[:, :, 0, :]
    ac = f_v[:, :, 2, :] - f_v[:, :, 0, :]
    bc = f_v[:, :, 1, :] - f_v[:, :, 2, :]
    return jnp.mean(jnp.abs(ab)) + jnp.mean(jnp.abs(ac)) + jnp.mean(jnp.abs(bc))

if __name__ == "__main__":
    import jax
    _d = setup_inputs()
    print(jax.jit(kernel)(*tuple(_d.values())))

</pallas_src>

<mosaic_0001>
#map = affine_map<(d0, d1) -> (0, 0)>
#map1 = affine_map<(d0, d1) -> (0, 0, 0, 0)>
module attributes {stable_mosaic.version = 14 : i64} {
  func.func @_edge_kernel(%arg0: i32, %arg1: i32, %arg2: memref<100000x96xf32, #tpu.memory_space<hbm>>, %arg3: memref<32x50x3x128xi32, #tpu.memory_space<hbm>>, %arg4: memref<32x96xf32, #tpu.memory_space<hbm>>, %arg5: memref<3x128xi32, #tpu.memory_space<vmem>>, %arg6: memref<384x96xf32, #tpu.memory_space<vmem>>, %arg7: memref<96xf32, #tpu.memory_space<vmem>>, %arg8: memref<!tpu.dma_semaphore, #tpu.memory_space<semaphore_mem>>) attributes {dimension_semantics = [#tpu.dimension_semantics<core_parallel>, #tpu.dimension_semantics<subcore_parallel>], iteration_bounds = array<i64: 2, 16>, scalar_prefetch = 0 : i64, scratch_operands = 4 : i64, tpu.core_type = #tpu.core_type<sc_vector_subcore>, window_params = [{transform_indices = #map}, {transform_indices = #map1}, {transform_indices = #map}]} {
    %mul3A = arith.constant 2 : i32
    %mul3A_0 = arith.muli %arg1, %mul3A : i32
    %add3A = arith.addi %mul3A_0, %arg0 : i32
    %broadcast_in_dim3A = arith.constant 0.000000e+00 : f32
    %broadcast_in_dim3A_1 = vector.broadcast %broadcast_in_dim3A : f32 to vector<16xf32>
    %scan3A = arith.constant 0 : i32
    %scan3A_2 = arith.constant 50 : i32
    %scan3A_3 = arith.addi %scan3A, %scan3A_2 : i32
    %scan3A_4 = arith.constant 1 : i32
    %scan3A_5:6 = scf.for %scan3A_30 = %scan3A to %scan3A_3 step %scan3A_4 iter_args(%scan3A_31 = %broadcast_in_dim3A_1, %scan3A_32 = %broadcast_in_dim3A_1, %scan3A_33 = %broadcast_in_dim3A_1, %scan3A_34 = %broadcast_in_dim3A_1, %scan3A_35 = %broadcast_in_dim3A_1, %scan3A_36 = %broadcast_in_dim3A_1) -> (vector<16xf32>, vector<16xf32>, vector<16xf32>, vector<16xf32>, vector<16xf32>, vector<16xf32>)  : i32 {
      "tpu.region"() ({
        %run_scoped3A = tpu.sem_alloc : memref<!tpu.dma_semaphore, #tpu.memory_space<semaphore_mem>>
        %dma_start3A_101 = arith.constant 0 : i32
        %dma_start3A_102 = arith.constant 0 : i32
        %dma_start3A_103 = tpu.memref_slice %arg3[%add3A, %scan3A_30, %dma_start3A_101, %dma_start3A_102] : memref<32x50x3x128xi32, #tpu.memory_space<hbm>> -> memref<1x1x3x128xi32, #tpu.memory_space<hbm>>
        %dma_start3A_104 = tpu.memref_squeeze %dma_start3A_103 : memref<1x1x3x128xi32, #tpu.memory_space<hbm>> -> memref<3x128xi32, #tpu.memory_space<hbm>>
        %dma_start3A_105 = arith.constant 0 : i32
        %dma_start3A_106 = arith.constant 0 : i32
        %dma_start3A_107 = tpu.memref_slice %arg3[%add3A, %scan3A_30, %dma_start3A_105, %dma_start3A_106] : memref<32x50x3x128xi32, #tpu.memory_space<hbm>> -> memref<1x1x3x128xi32, #tpu.memory_space<hbm>>
        %dma_start3A_108 = tpu.memref_squeeze %dma_start3A_107 : memref<1x1x3x128xi32, #tpu.memory_space<hbm>> -> memref<3x128xi32, #tpu.memory_space<hbm>>
        tpu.enqueue_dma source(%dma_start3A_108 : memref<3x128xi32, #tpu.memory_space<hbm>>) target(%arg5 : memref<3x128xi32, #tpu.memory_space<vmem>>) target_semaphore(%run_scoped3A : memref<!tpu.dma_semaphore, #tpu.memory_space<semaphore_mem>>)
        %dma_wait3A_109 = arith.constant 0 : i32
        %dma_wait3A_110 = arith.constant 0 : i32
        %dma_wait3A_111 = tpu.memref_slice %arg3[%add3A, %scan3A_30, %dma_wait3A_109, %dma_wait3A_110] : memref<32x50x3x128xi32, #tpu.memory_space<hbm>> -> memref<1x1x3x128xi32, #tpu.memory_space<hbm>>
        %dma_wait3A_112 = tpu.memref_squeeze %dma_wait3A_111 : memref<1x1x3x128xi32, #tpu.memory_space<hbm>> -> memref<3x128xi32, #tpu.memory_space<hbm>>
        %dma_wait3A_113 = arith.constant 0 : i32
        %dma_wait3A_114 = arith.constant 0 : i32
        %dma_wait3A_115 = tpu.memref_slice %arg3[%add3A, %scan3A_30, %dma_wait3A_113, %dma_wait3A_114] : memref<32x50x3x128xi32, #tpu.memory_space<hbm>> -> memref<1x1x3x128xi32, #tpu.memory_space<hbm>>
        %dma_wait3A_116 = tpu.memref_squeeze %dma_wait3A_115 : memref<1x1x3x128xi32, #tpu.memory_space<hbm>> -> memref<3x128xi32, #tpu.memory_space<hbm>>
        tpu.wait_dma2 semaphore(%run_scoped3A : memref<!tpu.dma_semaphore, #tpu.memory_space<semaphore_mem>>) src(%dma_wait3A_116 : memref<3x128xi32, #tpu.memory_space<hbm>>) dst(%arg5 : memref<3x128xi32, #tpu.memory_space<vmem>>)
        tpu.yield
      }) : () -> ()
      %dma_start3A = arith.constant 0 : i32
      %dma_start3A_37 = arith.constant 0 : i32
      %dma_start3A_38 = arith.constant 0 : i32
      %dma_start3A_39 = tpu.memref_slice %arg6[%dma_start3A_37, %dma_start3A_38] : memref<384x96xf32, #tpu.memory_space<vmem>> -> memref<128x96xf32, #tpu.memory_space<vmem>>
      %dma_start3A_40 = arith.constant 0 : i32
      %dma_start3A_41 = tpu.memref_slice %arg5[%dma_start3A, %dma_start3A_40] : memref<3x128xi32, #tpu.memory_space<vmem>> -> memref<1x128xi32, #tpu.memory_space<vmem>>
      %dma_start3A_42 = tpu.memref_squeeze %dma_start3A_41 : memref<1x128xi32, #tpu.memory_space<vmem>> -> memref<128xi32, #tpu.memory_space<vmem>>
      %dma_start3A_43 = arith.constant 0 : i32
      %dma_start3A_44 = arith.constant 0 : i32
      %dma_start3A_45 = tpu.memref_slice %arg2[%dma_start3A_43, %dma_start3A_44] : memref<100000x96xf32, #tpu.memory_space<hbm>> -> memref<100000x96xf32, #tpu.memory_space<hbm>>
      tpu.enqueue_indirect_dma source(%dma_start3A_45 : memref<100000x96xf32, #tpu.memory_space<hbm>>) target(%dma_start3A_39 : memref<128x96xf32, #tpu.memory_space<vmem>>) offsets(%dma_start3A_42 : memref<128xi32, #tpu.memory_space<vmem>>) semaphore(%arg8 : memref<!tpu.dma_semaphore, #tpu.memory_space<semaphore_mem>>)
      %dma_start3A_46 = arith.constant 1 : i32
      %dma_start3A_47 = arith.constant 128 : i32
      %dma_start3A_48 = arith.constant 0 : i32
      %dma_start3A_49 = tpu.memref_slice %arg6[%dma_start3A_47, %dma_start3A_48] : memref<384x96xf32, #tpu.memory_space<vmem>> -> memref<128x96xf32, #tpu.memory_space<vmem>>
      %dma_start3A_50 = arith.constant 0 : i32
      %dma_start3A_51 = tpu.memref_slice %arg5[%dma_start3A_46, %dma_start3A_50] : memref<3x128xi32, #tpu.memory_space<vmem>> -> memref<1x128xi32, #tpu.memory_space<vmem>>
      %dma_start3A_52 = tpu.memref_squeeze %dma_start3A_51 : memref<1x128xi32, #tpu.memory_space<vmem>> -> memref<128xi32, #tpu.memory_space<vmem>>
      %dma_start3A_53 = arith.constant 0 : i32
      %dma_start3A_54 = arith.constant 0 : i32
      %dma_start3A_55 = tpu.memref_slice %arg2[%dma_start3A_53, %dma_start3A_54] : memref<100000x96xf32, #tpu.memory_space<hbm>> -> memref<100000x96xf32, #tpu.memory_space<hbm>>
      tpu.enqueue_indirect_dma source(%dma_start3A_55 : memref<100000x96xf32, #tpu.memory_space<hbm>>) target(%dma_start3A_49 : memref<128x96xf32, #tpu.memory_space<vmem>>) offsets(%dma_start3A_52 : memref<128xi32, #tpu.memory_space<vmem>>) semaphore(%arg8 : memref<!tpu.dma_semaphore, #tpu.memory_space<semaphore_mem>>)
      %dma_start3A_56 = arith.constant 2 : i32
      %dma_start3A_57 = arith.constant 256 : i32
      %dma_start3A_58 = arith.constant 0 : i32
      %dma_start3A_59 = tpu.memref_slice %arg6[%dma_start3A_57, %dma_start3A_58] : memref<384x96xf32, #tpu.memory_space<vmem>> -> memref<128x96xf32, #tpu.memory_space<vmem>>
      %dma_start3A_60 = arith.constant 0 : i32
      %dma_start3A_61 = tpu.memref_slice %arg5[%dma_start3A_56, %dma_start3A_60] : memref<3x128xi32, #tpu.memory_space<vmem>> -> memref<1x128xi32, #tpu.memory_space<vmem>>
      %dma_start3A_62 = tpu.memref_squeeze %dma_start3A_61 : memref<1x128xi32, #tpu.memory_space<vmem>> -> memref<128xi32, #tpu.memory_space<vmem>>
      %dma_start3A_63 = arith.constant 0 : i32
      %dma_start3A_64 = arith.constant 0 : i32
      %dma_start3A_65 = tpu.memref_slice %arg2[%dma_start3A_63, %dma_start3A_64] : memref<100000x96xf32, #tpu.memory_space<hbm>> -> memref<100000x96xf32, #tpu.memory_space<hbm>>
      tpu.enqueue_indirect_dma source(%dma_start3A_65 : memref<100000x96xf32, #tpu.memory_space<hbm>>) target(%dma_start3A_59 : memref<128x96xf32, #tpu.memory_space<vmem>>) offsets(%dma_start3A_62 : memref<128xi32, #tpu.memory_space<vmem>>) semaphore(%arg8 : memref<!tpu.dma_semaphore, #tpu.memory_space<semaphore_mem>>)
      %dma_wait3A = arith.constant 0 : i32
      %dma_wait3A_66 = arith.constant 0 : i32
      %dma_wait3A_67 = arith.constant 0 : i32
      %dma_wait3A_68 = tpu.memref_slice %arg6[%dma_wait3A_66, %dma_wait3A_67] : memref<384x96xf32, #tpu.memory_space<vmem>> -> memref<128x96xf32, #tpu.memory_space<vmem>>
      %dma_wait3A_69 = arith.constant 0 : i32
      %dma_wait3A_70 = tpu.memref_slice %arg5[%dma_wait3A, %dma_wait3A_69] : memref<3x128xi32, #tpu.memory_space<vmem>> -> memref<1x128xi32, #tpu.memory_space<vmem>>
      %dma_wait3A_71 = tpu.memref_squeeze %dma_wait3A_70 : memref<1x128xi32, #tpu.memory_space<vmem>> -> memref<128xi32, #tpu.memory_space<vmem>>
      %dma_wait3A_72 = arith.constant 0 : i32
      %dma_wait3A_73 = arith.constant 0 : i32
      %dma_wait3A_74 = tpu.memref_slice %arg2[%dma_wait3A_72, %dma_wait3A_73] : memref<100000x96xf32, #tpu.memory_space<hbm>> -> memref<100000x96xf32, #tpu.memory_space<hbm>>
      tpu.wait_indirect_dma semaphore(%arg8 : memref<!tpu.dma_semaphore, #tpu.memory_space<semaphore_mem>>) src(%dma_wait3A_74 : memref<100000x96xf32, #tpu.memory_space<hbm>>) dst(%dma_wait3A_68 : memref<128x96xf32, #tpu.memory_space<vmem>>)
      %dma_wait3A_75 = arith.constant 1 : i32
      %dma_wait3A_76 = arith.constant 128 : i32
      %dma_wait3A_77 = arith.constant 0 : i32
      %dma_wait3A_78 = tpu.memref_slice %arg6[%dma_wait3A_76, %dma_wait3A_77] : memref<384x96xf32, #tpu.memory_space<vmem>> -> memref<128x96xf32, #tpu.memory_space<vmem>>
      %dma_wait3A_79 = arith.constant 0 : i32
      %dma_wait3A_80 = tpu.memref_slice %arg5[%dma_wait3A_75, %dma_wait3A_79] : memref<3x128xi32, #tpu.memory_space<vmem>> -> memref<1x128xi32, #tpu.memory_space<vmem>>
      %dma_wait3A_81 = tpu.memref_squeeze %dma_wait3A_80 : memref<1x128xi32, #tpu.memory_space<vmem>> -> memref<128xi32, #tpu.memory_space<vmem>>
      %dma_wait3A_82 = arith.constant 0 : i32
      %dma_wait3A_83 = arith.constant 0 : i32
      %dma_wait3A_84 = tpu.memref_slice %arg2[%dma_wait3A_82, %dma_wait3A_83] : memref<100000x96xf32, #tpu.memory_space<hbm>> -> memref<100000x96xf32, #tpu.memory_space<hbm>>
      tpu.wait_indirect_dma semaphore(%arg8 : memref<!tpu.dma_semaphore, #tpu.memory_space<semaphore_mem>>) src(%dma_wait3A_84 : memref<100000x96xf32, #tpu.memory_space<hbm>>) dst(%dma_wait3A_78 : memref<128x96xf32, #tpu.memory_space<vmem>>)
      %dma_wait3A_85 = arith.constant 2 : i32
      %dma_wait3A_86 = arith.constant 256 : i32
      %dma_wait3A_87 = arith.constant 0 : i32
      %dma_wait3A_88 = tpu.memref_slice %arg6[%dma_wait3A_86, %dma_wait3A_87] : memref<384x96xf32, #tpu.memory_space<vmem>> -> memref<128x96xf32, #tpu.memory_space<vmem>>
      %dma_wait3A_89 = arith.constant 0 : i32
      %dma_wait3A_90 = tpu.memref_slice %arg5[%dma_wait3A_85, %dma_wait3A_89] : memref<3x128xi32, #tpu.memory_space<vmem>> -> memref<1x128xi32, #tpu.memory_space<vmem>>
      %dma_wait3A_91 = tpu.memref_squeeze %dma_wait3A_90 : memref<1x128xi32, #tpu.memory_space<vmem>> -> memref<128xi32, #tpu.memory_space<vmem>>
      %dma_wait3A_92 = arith.constant 0 : i32
      %dma_wait3A_93 = arith.constant 0 : i32
      %dma_wait3A_94 = tpu.memref_slice %arg2[%dma_wait3A_92, %dma_wait3A_93] : memref<100000x96xf32, #tpu.memory_space<hbm>> -> memref<100000x96xf32, #tpu.memory_space<hbm>>
      tpu.wait_indirect_dma semaphore(%arg8 : memref<!tpu.dma_semaphore, #tpu.memory_space<semaphore_mem>>) src(%dma_wait3A_94 : memref<100000x96xf32, #tpu.memory_space<hbm>>) dst(%dma_wait3A_88 : memref<128x96xf32, #tpu.memory_space<vmem>>)
      %scan3A_95 = arith.constant 0 : i32
      %scan3A_96 = arith.constant 128 : i32
      %scan3A_97 = arith.addi %scan3A_95, %scan3A_96 : i32
      %scan3A_98 = arith.constant 1 : i32
      %scan3A_99:6 = scf.for %scan3A_101 = %scan3A_95 to %scan3A_97 step %scan3A_98 iter_args(%scan3A_102 = %scan3A_31, %scan3A_103 = %scan3A_32, %scan3A_104 = %scan3A_33, %scan3A_105 = %scan3A_34, %scan3A_106 = %scan3A_35, %scan3A_107 = %scan3A_36) -> (vector<16xf32>, vector<16xf32>, vector<16xf32>, vector<16xf32>, vector<16xf32>, vector<16xf32>)  : i32 {
        %mul3A_108 = arith.constant 3 : i32
        %mul3A_109 = arith.muli %mul3A_108, %scan3A_101 : i32
        %get3A = arith.index_cast %mul3A_109 : i32 to index
        %get3A_110 = arith.constant 0 : index
        %get3A_111 = tpu.vector_load %arg6[%get3A, %get3A_110] {strides = array<i32>} : memref<384x96xf32, #tpu.memory_space<vmem>>, vector<1x16xf32>,
        %get3A_112 = vector.shape_cast %get3A_111 : vector<1x16xf32> to vector<16xf32>
        %add3A_113 = arith.constant 1 : i32
        %add3A_114 = arith.addi %mul3A_109, %add3A_113 : i32
        %get3A_115 = arith.index_cast %add3A_114 : i32 to index
        %get3A_116 = arith.constant 0 : index
        %get3A_117 = tpu.vector_load %arg6[%get3A_115, %get3A_116] {strides = array<i32>} : memref<384x96xf32, #tpu.memory_space<vmem>>, vector<1x16xf32>,
        %get3A_118 = vector.shape_cast %get3A_117 : vector<1x16xf32> to vector<16xf32>
        %add3A_119 = arith.constant 2 : i32
        %add3A_120 = arith.addi %mul3A_109, %add3A_119 : i32
        %get3A_121 = arith.index_cast %add3A_120 : i32 to index
        %get3A_122 = arith.constant 0 : index
        %get3A_123 = tpu.vector_load %arg6[%get3A_121, %get3A_122] {strides = array<i32>} : memref<384x96xf32, #tpu.memory_space<vmem>>, vector<1x16xf32>,
        %get3A_124 = vector.shape_cast %get3A_123 : vector<1x16xf32> to vector<16xf32>
        %sub3A = arith.subf %get3A_118, %get3A_112 : vector<16xf32>
        %abs3A = math.absf %sub3A : vector<16xf32>
        %sub3A_125 = arith.subf %get3A_124, %get3A_112 : vector<16xf32>
        %abs3A_126 = math.absf %sub3A_125 : vector<16xf32>
        %add3A_127 = arith.addf %abs3A, %abs3A_126 : vector<16xf32>
        %sub3A_128 = arith.subf %get3A_118, %get3A_124 : vector<16xf32>
        %abs3A_129 = math.absf %sub3A_128 : vector<16xf32>
        %add3A_130 = arith.addf %add3A_127, %abs3A_129 : vector<16xf32>
        %add3A_131 = arith.addf %scan3A_102, %add3A_130 : vector<16xf32>
        %get3A_132 = arith.index_cast %mul3A_109 : i32 to index
        %get3A_133 = arith.constant 16 : index
        %get3A_134 = tpu.vector_load %arg6[%get3A_132, %get3A_133] {strides = array<i32>} : memref<384x96xf32, #tpu.memory_space<vmem>>, vector<1x16xf32>,
        %get3A_135 = vector.shape_cast %get3A_134 : vector<1x16xf32> to vector<16xf32>
        %add3A_136 = arith.constant 1 : i32
        %add3A_137 = arith.addi %mul3A_109, %add3A_136 : i32
        %get3A_138 = arith.index_cast %add3A_137 : i32 to index
        %get3A_139 = arith.constant 16 : index
        %get3A_140 = tpu.vector_load %arg6[%get3A_138, %get3A_139] {strides = array<i32>} : memref<384x96xf32, #tpu.memory_space<vmem>>, vector<1x16xf32>,
        %get3A_141 = vector.shape_cast %get3A_140 : vector<1x16xf32> to vector<16xf32>
        %add3A_142 = arith.constant 2 : i32
        %add3A_143 = arith.addi %mul3A_109, %add3A_142 : i32
        %get3A_144 = arith.index_cast %add3A_143 : i32 to index
        %get3A_145 = arith.constant 16 : index
        %get3A_146 = tpu.vector_load %arg6[%get3A_144, %get3A_145] {strides = array<i32>} : memref<384x96xf32, #tpu.memory_space<vmem>>, vector<1x16xf32>,
        %get3A_147 = vector.shape_cast %get3A_146 : vector<1x16xf32> to vector<16xf32>
        %sub3A_148 = arith.subf %get3A_141, %get3A_135 : vector<16xf32>
        %abs3A_149 = math.absf %sub3A_148 : vector<16xf32>
        %sub3A_150 = arith.subf %get3A_147, %get3A_135 : vector<16xf32>
        %abs3A_151 = math.absf %sub3A_150 : vector<16xf32>
        %add3A_152 = arith.addf %abs3A_149, %abs3A_151 : vector<16xf32>
        %sub3A_153 = arith.subf %get3A_141, %get3A_147 : vector<16xf32>
        %abs3A_154 = math.absf %sub3A_153 : vector<16xf32>
        %add3A_155 = arith.addf %add3A_152, %abs3A_154 : vector<16xf32>
        %add3A_156 = arith.addf %scan3A_103, %add3A_155 : vector<16xf32>
        %get3A_157 = arith.index_cast %mul3A_109 : i32 to index
        %get3A_158 = arith.constant 32 : index
        %get3A_159 = tpu.vector_load %arg6[%get3A_157, %get3A_158] {strides = array<i32>} : memref<384x96xf32, #tpu.memory_space<vmem>>, vector<1x16xf32>,
        %get3A_160 = vector.shape_cast %get3A_159 : vector<1x16xf32> to vector<16xf32>
        %add3A_161 = arith.constant 1 : i32
        %add3A_162 = arith.addi %mul3A_109, %add3A_161 : i32
        %get3A_163 = arith.index_cast %add3A_162 : i32 to index
        %get3A_164 = arith.constant 32 : index
        %get3A_165 = tpu.vector_load %arg6[%get3A_163, %get3A_164] {strides = array<i32>} : memref<384x96xf32, #tpu.memory_space<vmem>>, vector<1x16xf32>,
        %get3A_166 = vector.shape_cast %get3A_165 : vector<1x16xf32> to vector<16xf32>
        %add3A_167 = arith.constant 2 : i32
        %add3A_168 = arith.addi %mul3A_109, %add3A_167 : i32
        %get3A_169 = arith.index_cast %add3A_168 : i32 to index
        %get3A_170 = arith.constant 32 : index
        %get3A_171 = tpu.vector_load %arg6[%get3A_169, %get3A_170] {strides = array<i32>} : memref<384x96xf32, #tpu.memory_space<vmem>>, vector<1x16xf32>,
        %get3A_172 = vector.shape_cast %get3A_171 : vector<1x16xf32> to vector<16xf32>
        %sub3A_173 = arith.subf %get3A_166, %get3A_160 : vector<16xf32>
        %abs3A_174 = math.absf %sub3A_173 : vector<16xf32>
        %sub3A_175 = arith.subf %get3A_172, %get3A_160 : vector<16xf32>
        %abs3A_176 = math.absf %sub3A_175 : vector<16xf32>
        %add3A_177 = arith.addf %abs3A_174, %abs3A_176 : vector<16xf32>
        %sub3A_178 = arith.subf %get3A_166, %get3A_172 : vector<16xf32>
        %abs3A_179 = math.absf %sub3A_178 : vector<16xf32>
        %add3A_180 = arith.addf %add3A_177, %abs3A_179 : vector<16xf32>
        %add3A_181 = arith.addf %scan3A_104, %add3A_180 : vector<16xf32>
        %get3A_182 = arith.index_cast %mul3A_109 : i32 to index
        %get3A_183 = arith.constant 48 : index
        %get3A_184 = tpu.vector_load %arg6[%get3A_182, %get3A_183] {strides = array<i32>} : memref<384x96xf32, #tpu.memory_space<vmem>>, vector<1x16xf32>,
        %get3A_185 = vector.shape_cast %get3A_184 : vector<1x16xf32> to vector<16xf32>
        %add3A_186 = arith.constant 1 : i32
        %add3A_187 = arith.addi %mul3A_109, %add3A_186 : i32
        %get3A_188 = arith.index_cast %add3A_187 : i32 to index
        %get3A_189 = arith.constant 48 : index
        %get3A_190 = tpu.vector_load %arg6[%get3A_188, %get3A_189] {strides = array<i32>} : memref<384x96xf32, #tpu.memory_space<vmem>>, vector<1x16xf32>,
        %get3A_191 = vector.shape_cast %get3A_190 : vector<1x16xf32> to vector<16xf32>
        %add3A_192 = arith.constant 2 : i32
        %add3A_193 = arith.addi %mul3A_109, %add3A_192 : i32
        %get3A_194 = arith.index_cast %add3A_193 : i32 to index
        %get3A_195 = arith.constant 48 : index
        %get3A_196 = tpu.vector_load %arg6[%get3A_194, %get3A_195] {strides = array<i32>} : memref<384x96xf32, #tpu.memory_space<vmem>>, vector<1x16xf32>,
        %get3A_197 = vector.shape_cast %get3A_196 : vector<1x16xf32> to vector<16xf32>
        %sub3A_198 = arith.subf %get3A_191, %get3A_185 : vector<16xf32>
        %abs3A_199 = math.absf %sub3A_198 : vector<16xf32>
        %sub3A_200 = arith.subf %get3A_197, %get3A_185 : vector<16xf32>
        %abs3A_201 = math.absf %sub3A_200 : vector<16xf32>
        %add3A_202 = arith.addf %abs3A_199, %abs3A_201 : vector<16xf32>
        %sub3A_203 = arith.subf %get3A_191, %get3A_197 : vector<16xf32>
        %abs3A_204 = math.absf %sub3A_203 : vector<16xf32>
        %add3A_205 = arith.addf %add3A_202, %abs3A_204 : vector<16xf32>
        %add3A_206 = arith.addf %scan3A_105, %add3A_205 : vector<16xf32>
        %get3A_207 = arith.index_cast %mul3A_109 : i32 to index
        %get3A_208 = arith.constant 64 : index
        %get3A_209 = tpu.vector_load %arg6[%get3A_207, %get3A_208] {strides = array<i32>} : memref<384x96xf32, #tpu.memory_space<vmem>>, vector<1x16xf32>,
        %get3A_210 = vector.shape_cast %get3A_209 : vector<1x16xf32> to vector<16xf32>
        %add3A_211 = arith.constant 1 : i32
        %add3A_212 = arith.addi %mul3A_109, %add3A_211 : i32
        %get3A_213 = arith.index_cast %add3A_212 : i32 to index
        %get3A_214 = arith.constant 64 : index
        %get3A_215 = tpu.vector_load %arg6[%get3A_213, %get3A_214] {strides = array<i32>} : memref<384x96xf32, #tpu.memory_space<vmem>>, vector<1x16xf32>,
        %get3A_216 = vector.shape_cast %get3A_215 : vector<1x16xf32> to vector<16xf32>
        %add3A_217 = arith.constant 2 : i32
        %add3A_218 = arith.addi %mul3A_109, %add3A_217 : i32
        %get3A_219 = arith.index_cast %add3A_218 : i32 to index
        %get3A_220 = arith.constant 64 : index
        %get3A_221 = tpu.vector_load %arg6[%get3A_219, %get3A_220] {strides = array<i32>} : memref<384x96xf32, #tpu.memory_space<vmem>>, vector<1x16xf32>,
        %get3A_222 = vector.shape_cast %get3A_221 : vector<1x16xf32> to vector<16xf32>
        %sub3A_223 = arith.subf %get3A_216, %get3A_210 : vector<16xf32>
        %abs3A_224 = math.absf %sub3A_223 : vector<16xf32>
        %sub3A_225 = arith.subf %get3A_222, %get3A_210 : vector<16xf32>
        %abs3A_226 = math.absf %sub3A_225 : vector<16xf32>
        %add3A_227 = arith.addf %abs3A_224, %abs3A_226 : vector<16xf32>
        %sub3A_228 = arith.subf %get3A_216, %get3A_222 : vector<16xf32>
        %abs3A_229 = math.absf %sub3A_228 : vector<16xf32>
        %add3A_230 = arith.addf %add3A_227, %abs3A_229 : vector<16xf32>
        %add3A_231 = arith.addf %scan3A_106, %add3A_230 : vector<16xf32>
        %get3A_232 = arith.index_cast %mul3A_109 : i32 to index
        %get3A_233 = arith.constant 80 : index
        %get3A_234 = tpu.vector_load %arg6[%get3A_232, %get3A_233] {strides = array<i32>} : memref<384x96xf32, #tpu.memory_space<vmem>>, vector<1x16xf32>,
        %get3A_235 = vector.shape_cast %get3A_234 : vector<1x16xf32> to vector<16xf32>
        %add3A_236 = arith.constant 1 : i32
        %add3A_237 = arith.addi %mul3A_109, %add3A_236 : i32
        %get3A_238 = arith.index_cast %add3A_237 : i32 to index
        %get3A_239 = arith.constant 80 : index
        %get3A_240 = tpu.vector_load %arg6[%get3A_238, %get3A_239] {strides = array<i32>} : memref<384x96xf32, #tpu.memory_space<vmem>>, vector<1x16xf32>,
        %get3A_241 = vector.shape_cast %get3A_240 : vector<1x16xf32> to vector<16xf32>
        %add3A_242 = arith.constant 2 : i32
        %add3A_243 = arith.addi %mul3A_109, %add3A_242 : i32
        %get3A_244 = arith.index_cast %add3A_243 : i32 to index
        %get3A_245 = arith.constant 80 : index
        %get3A_246 = tpu.vector_load %arg6[%get3A_244, %get3A_245] {strides = array<i32>} : memref<384x96xf32, #tpu.memory_space<vmem>>, vector<1x16xf32>,
        %get3A_247 = vector.shape_cast %get3A_246 : vector<1x16xf32> to vector<16xf32>
        %sub3A_248 = arith.subf %get3A_241, %get3A_235 : vector<16xf32>
        %abs3A_249 = math.absf %sub3A_248 : vector<16xf32>
        %sub3A_250 = arith.subf %get3A_247, %get3A_235 : vector<16xf32>
        %abs3A_251 = math.absf %sub3A_250 : vector<16xf32>
        %add3A_252 = arith.addf %abs3A_249, %abs3A_251 : vector<16xf32>
        %sub3A_253 = arith.subf %get3A_241, %get3A_247 : vector<16xf32>
        %abs3A_254 = math.absf %sub3A_253 : vector<16xf32>
        %add3A_255 = arith.addf %add3A_252, %abs3A_254 : vector<16xf32>
        %add3A_256 = arith.addf %scan3A_107, %add3A_255 : vector<16xf32>
        scf.yield %add3A_131, %add3A_156, %add3A_181, %add3A_206, %add3A_231, %add3A_256 : vector<16xf32>, vector<16xf32>, vector<16xf32>, vector<16xf32>, vector<16xf32>, vector<16xf32>
      }
      %scan3A_100 = arith.constant 128 : i32
      scf.yield %scan3A_99#0, %scan3A_99#1, %scan3A_99#2, %scan3A_99#3, %scan3A_99#4, %scan3A_99#5 : vector<16xf32>, vector<16xf32>, vector<16xf32>, vector<16xf32>, vector<16xf32>, vector<16xf32>
    }
    %scan3A_6 = arith.constant 50 : i32
    %swap3A = arith.constant 0 : index
    %swap3A_7 = tpu.vector_load %arg7[%swap3A] {strides = array<i32>} : memref<96xf32, #tpu.memory_space<vmem>>, vector<16xf32>,
    %swap3A_8 = vector.shape_cast %swap3A_7 : vector<16xf32> to vector<16xf32>
    %swap3A_9 = vector.shape_cast %scan3A_5#0 : vector<16xf32> to vector<16xf32>
    tpu.vector_store %arg7[%swap3A], %swap3A_9 {strides = array<i32>} : memref<96xf32, #tpu.memory_space<vmem>>, vector<16xf32>,
    %swap3A_10 = arith.constant 16 : index
    %swap3A_11 = tpu.vector_load %arg7[%swap3A_10] {strides = array<i32>} : memref<96xf32, #tpu.memory_space<vmem>>, vector<16xf32>,
    %swap3A_12 = vector.shape_cast %swap3A_11 : vector<16xf32> to vector<16xf32>
    %swap3A_13 = vector.shape_cast %scan3A_5#1 : vector<16xf32> to vector<16xf32>
    tpu.vector_store %arg7[%swap3A_10], %swap3A_13 {strides = array<i32>} : memref<96xf32, #tpu.memory_space<vmem>>, vector<16xf32>,
    %swap3A_14 = arith.constant 32 : index
    %swap3A_15 = tpu.vector_load %arg7[%swap3A_14] {strides = array<i32>} : memref<96xf32, #tpu.memory_space<vmem>>, vector<16xf32>,
    %swap3A_16 = vector.shape_cast %swap3A_15 : vector<16xf32> to vector<16xf32>
    %swap3A_17 = vector.shape_cast %scan3A_5#2 : vector<16xf32> to vector<16xf32>
    tpu.vector_store %arg7[%swap3A_14], %swap3A_17 {strides = array<i32>} : memref<96xf32, #tpu.memory_space<vmem>>, vector<16xf32>,
    %swap3A_18 = arith.constant 48 : index
    %swap3A_19 = tpu.vector_load %arg7[%swap3A_18] {strides = array<i32>} : memref<96xf32, #tpu.memory_space<vmem>>, vector<16xf32>,
    %swap3A_20 = vector.shape_cast %swap3A_19 : vector<16xf32> to vector<16xf32>
    %swap3A_21 = vector.shape_cast %scan3A_5#3 : vector<16xf32> to vector<16xf32>
    tpu.vector_store %arg7[%swap3A_18], %swap3A_21 {strides = array<i32>} : memref<96xf32, #tpu.memory_space<vmem>>, vector<16xf32>,
    %swap3A_22 = arith.constant 64 : index
    %swap3A_23 = tpu.vector_load %arg7[%swap3A_22] {strides = array<i32>} : memref<96xf32, #tpu.memory_space<vmem>>, vector<16xf32>,
    %swap3A_24 = vector.shape_cast %swap3A_23 : vector<16xf32> to vector<16xf32>
    %swap3A_25 = vector.shape_cast %scan3A_5#4 : vector<16xf32> to vector<16xf32>
    tpu.vector_store %arg7[%swap3A_22], %swap3A_25 {strides = array<i32>} : memref<96xf32, #tpu.memory_space<vmem>>, vector<16xf32>,
    %swap3A_26 = arith.constant 80 : index
    %swap3A_27 = tpu.vector_load %arg7[%swap3A_26] {strides = array<i32>} : memref<96xf32, #tpu.memory_space<vmem>>, vector<16xf32>,
    %swap3A_28 = vector.shape_cast %swap3A_27 : vector<16xf32> to vector<16xf32>
    %swap3A_29 = vector.shape_cast %scan3A_5#5 : vector<16xf32> to vector<16xf32>
    tpu.vector_store %arg7[%swap3A_26], %swap3A_29 {strides = array<i32>} : memref<96xf32, #tpu.memory_space<vmem>>, vector<16xf32>,
    "tpu.region"() ({
      %run_scoped3A = tpu.sem_alloc : memref<!tpu.dma_semaphore, #tpu.memory_space<semaphore_mem>>
      %dma_start3A = arith.constant 0 : i32
      %dma_start3A_30 = tpu.memref_slice %arg4[%add3A, %dma_start3A] : memref<32x96xf32, #tpu.memory_space<hbm>> -> memref<1x96xf32, #tpu.memory_space<hbm>>
      %dma_start3A_31 = tpu.memref_squeeze %dma_start3A_30 : memref<1x96xf32, #tpu.memory_space<hbm>> -> memref<96xf32, #tpu.memory_space<hbm>>
      %dma_start3A_32 = arith.constant 0 : i32
      %dma_start3A_33 = tpu.memref_slice %arg4[%add3A, %dma_start3A_32] : memref<32x96xf32, #tpu.memory_space<hbm>> -> memref<1x96xf32, #tpu.memory_space<hbm>>
      %dma_start3A_34 = tpu.memref_squeeze %dma_start3A_33 : memref<1x96xf32, #tpu.memory_space<hbm>> -> memref<96xf32, #tpu.memory_space<hbm>>
      tpu.enqueue_dma source(%arg7 : memref<96xf32, #tpu.memory_space<vmem>>) target(%dma_start3A_34 : memref<96xf32, #tpu.memory_space<hbm>>) target_semaphore(%run_scoped3A : memref<!tpu.dma_semaphore, #tpu.memory_space<semaphore_mem>>)
      %dma_wait3A = arith.constant 0 : i32
      %dma_wait3A_35 = tpu.memref_slice %arg4[%add3A, %dma_wait3A] : memref<32x96xf32, #tpu.memory_space<hbm>> -> memref<1x96xf32, #tpu.memory_space<hbm>>
      %dma_wait3A_36 = tpu.memref_squeeze %dma_wait3A_35 : memref<1x96xf32, #tpu.memory_space<hbm>> -> memref<96xf32, #tpu.memory_space<hbm>>
      %dma_wait3A_37 = arith.constant 0 : i32
      %dma_wait3A_38 = tpu.memref_slice %arg4[%add3A, %dma_wait3A_37] : memref<32x96xf32, #tpu.memory_space<hbm>> -> memref<1x96xf32, #tpu.memory_space<hbm>>
      %dma_wait3A_39 = tpu.memref_squeeze %dma_wait3A_38 : memref<1x96xf32, #tpu.memory_space<hbm>> -> memref<96xf32, #tpu.memory_space<hbm>>
      tpu.wait_dma2 semaphore(%run_scoped3A : memref<!tpu.dma_semaphore, #tpu.memory_space<semaphore_mem>>) src(%arg7 : memref<96xf32, #tpu.memory_space<vmem>>) dst(%dma_wait3A_39 : memref<96xf32, #tpu.memory_space<hbm>>)
      tpu.yield
    }) : () -> ()
    return
  }
}

</mosaic_0001>

<sc_bundles>
// kernel: _edge_loss.3.cloned.1.call-start
scs
__scs_entry_jumppad:
0x0: {  	(pc) =	sbr.rel $0x88, $3  }
0x1: {  	(tag) =	ssettag $0x0;
	lr =	simm.s32 $0x1  }
0x2: {  	[smem:$0x3F9F] =	sst lr;
	_ =	strace $0xD0000000  }
0x3: {  	_ = 	snop  }
0x4: {  	_ = 	snop  }
0x5: {  	_ = 	snop  }
0x6: {  	_ = 	snop  }
0x7: {  	_ = 	snop  }
__scs_overlays_trampoline_lowered:
0x8: {  	[smem:$0x3FAE] =	sst s0  }
0x9: {  	[smem:$0x3FAF] =	sst s1  }
0xa: {  	[smem:$0x3FB0] =	sst s2  }
0xb: {  	[smem:$0x3FB1] =	sst s3  }
0xc: {  	[smem:$0x3FB2] =	sst s4  }
0xd: {  	[smem:$0x3FB3] =	sst s5  }
0xe: {  	[smem:$0x3FB4] =	sst s6  }
0xf: {  	[smem:$0x3FB5] =	sst s7  }
0x10: {  	[smem:$0x3FB6] =	sst s8  }
0x11: {  	[smem:$0x3FB7] =	sst s9;
	s0 =	simm.s32 @!p0 $0x0  }
0x12: {  	s1 =	sld [smem:$0x3F9D];
	s0 =	simm.s32 @p0 $0x1  }
0x13: {  	[smem:$0x3FB8] =	sst s0;
	s0 =	simm.s32 @!p1 $0x0  }
0x14: {  	s2 =	sld [smem:$0x3F9C];
	s0 =	simm.s32 @p1 $0x1  }
0x15: {  	[smem:$0x3FB9] =	sst s0;
	s0 =	simm.s32 @!p2 $0x0  }
0x16: {  	s3 =	sld [smem:$0x3FDB];
	s0 =	simm.s32 @p2 $0x1  }
0x17: {  	s4 =	simm.s32 $0x1BF5;
	[smem:$0x3FBB] =	sst s0  }
0x18: {  	s0 =	sld [smem:$0x3F9E];
	_ =	swait.ge [sflag:s4], $0x0  }
0x19: {  	s7 =	sld [smem:$0x3F9F]  }
0x1a: {  	s8 =	sadd.s32 $0xFFFFE003, lr  }
0x1b: {  	s9 =	sadd.s32 $0xFFFFFEF7, lr;
	s5 =	simm.s32 $0xFFFFFFFF;
	p2 =	slt.u32 s8, $0xFFFFF086  }
0x1c: {  	p1 =	slt.u32 s9, $0xF7A;
	s5 =	simm.s32 @!p2 $0x0  }
0x1d: {  	s5 =	simm.s32 @p1 $0x1;
	p0 =	seq.s32 s7, s2  }
0x1e: {  	s7 =	smul.u32 @!p0 $0xF7A, s2;
	p2 =	seq.s32 @!p0 s5, $0x0  }
0x1f: {  	s9 =	smul.u32 $0xF7A, s1;
	s8 =	simm.s32 @!p0 $0x1BF5;
	p2 =	por !p2, p0  }
0x20: {  	[sflag:s8] =	ssyncset.s32 @!p0 $0xFFFFF086;
	s6 =	sadd.s32 @!p0 s3, s7;
	s7 =	simm.s32 @!p0 $0x108  }
0x21: {  	s3 =	sadd.s32 s3, s9;
	s6 =	sadd.s32 @!p0 $0x88, s6;
	s7 =	simm.s32 @p2 $0x1082  }
0x22: {  	[simem:s7], [sflag:s8] =	dma.local @!p0 [hbm:s6], $0xF7A  }
0x23: {  	s9 =	sor.u32 $0xD0000000, s2;
	s6 =	simm.s32 $0x108;
	_ =	swait.ge @!p0 [sflag:s8], $0x0  }
0x24: {  	s3 =	sadd.s32 $0x88, s3;
	s6 =	simm.s32 @!p1 $0x1082;
	[sflag:s4] =	ssyncset.s32 $0xFFFFF086  }
0x25: {  	[simem:s6], [sflag:s4] =	dma.local [hbm:s3], $0xF7A  }
0x26: {  	[smem:$0x3F9F] =	sst s1;
	(tag) =	ssettag s2;
	_ =	strace s9  }
0x27: {  	s1 =	sld [smem:$0x3FAF]  }
0x28: {  	s2 =	sld [smem:$0x3FB0]  }
0x29: {  	s4 =	sld [smem:$0x3FB2]  }
0x2a: {  	p0 =	seq.s32 s5, $0x0;
	s5 =	sld [smem:$0x3FB3]  }
0x2b: {  	s6 =	sld [smem:$0x3FB4]  }
0x2c: {  	s7 =	sld [smem:$0x3FB5]  }
0x2d: {  	s3 =	simm.s32 $0x108;
	s8 =	sld [smem:$0x3FB6]  }
0x2e: {  	s3 =	simm.s32 @!p0 $0x1082;
	s9 =	sld [smem:$0x3FB7]  }
0x2f: {  	lr =	sadd.s32 s0, s3;
	s0 =	sld [smem:$0x3FAE]  }
0x30: {  	s3 =	sld [smem:$0x3FB1]  }
0x31: {  	[smem:$0x3FBA] =	sst s10  }
0x32: {  	s10 =	sld [smem:$0x3FB8];
	_ =	sdelay $0x3  }
0x33: {  	p0 =	seq.s32 s10, $0x1;
	s10 =	sld [smem:$0x3FBA];
	_ =	sdelay $0x3  }
0x34: {  	[smem:$0x3FBA] =	sst s10  }
0x35: {  	s10 =	sld [smem:$0x3FB9];
	_ =	sdelay $0x3  }
0x36: {  	p1 =	seq.s32 s10, $0x1;
	s10 =	sld [smem:$0x3FBA];
	_ =	sdelay $0x3  }
0x37: {  	[smem:$0x3FBA] =	sst s10  }
0x38: {  	s10 =	sld [smem:$0x3FBB]  }
0x39: {  	_ = 	snop;
	(pc) =	sbr.ind lr, $3  }
0x3a: {  	_ = 	snop  }
0x3b: {  	_ = 	snop  }
0x3c: {  	p2 =	seq.s32 s10, $0x1;
	s10 =	sld [smem:$0x3FBA]  }
0x3d: {  	_ =	shalt  }
0x3e: {  	_ =	shalt  }
0x3f: {  	_ =	shalt  }
0x40: {  	_ =	shalt  }
0x41: {  	_ =	shalt  }
0x42: {  	_ =	shalt  }
0x43: {  	_ =	shalt  }
0x44: {  	_ =	shalt  }
0x45: {  	_ =	shalt  }
0x46: {  	_ =	shalt  }
0x47: {  	_ =	shalt  }
0x48: {  	_ =	shalt  }
0x49: {  	_ =	shalt  }
0x4a: {  	_ =	shalt  }
0x4b: {  	_ =	shalt  }
0x4c: {  	_ =	shalt  }
0x4d: {  	_ =	shalt  }
0x4e: {  	_ =	shalt  }
0x4f: {  	_ =	shalt  }
0x50: {  	_ =	shalt  }
0x51: {  	_ =	shalt  }
0x52: {  	_ =	shalt  }
0x53: {  	_ =	shalt  }
0x54: {  	_ =	shalt  }
0x55: {  	_ =	shalt  }
0x56: {  	_ =	shalt  }
0x57: {  	_ =	shalt  }
0x58: {  	_ =	shalt  }
0x59: {  	_ =	shalt  }
0x5a: {  	_ =	shalt  }
0x5b: {  	_ =	shalt  }
0x5c: {  	_ =	shalt  }
0x5d: {  	_ =	shalt  }
0x5e: {  	_ =	shalt  }
0x5f: {  	_ =	shalt  }
0x60: {  	_ =	shalt  }
0x61: {  	_ =	shalt  }
0x62: {  	_ =	shalt  }
0x63: {  	_ =	shalt  }
0x64: {  	_ =	shalt  }
0x65: {  	_ =	shalt  }
0x66: {  	_ =	shalt  }
0x67: {  	_ =	shalt  }
0x68: {  	_ =	shalt  }
0x69: {  	_ =	shalt  }
0x6a: {  	_ =	shalt  }
0x6b: {  	_ =	shalt  }
0x6c: {  	_ =	shalt  }
0x6d: {  	_ =	shalt  }
0x6e: {  	_ =	shalt  }
0x6f: {  	_ =	shalt  }
0x70: {  	_ =	shalt  }
0x71: {  	_ =	shalt  }
0x72: {  	_ =	shalt  }
0x73: {  	_ =	shalt  }
0x74: {  	_ =	shalt  }
0x75: {  	_ =	shalt  }
0x76: {  	_ =	shalt  }
0x77: {  	_ =	shalt  }
0x78: {  	_ =	shalt  }
0x79: {  	_ =	shalt  }
0x7a: {  	_ =	shalt  }
0x7b: {  	_ =	shalt  }
0x7c: {  	_ =	shalt  }
0x7d: {  	_ =	shalt  }
0x7e: {  	_ =	shalt  }
0x7f: {  	_ =	shalt  }
0x80: {  	_ =	shalt  }
0x81: {  	_ =	shalt  }
0x82: {  	_ =	shalt  }
0x83: {  	_ =	shalt  }
0x84: {  	_ =	shalt  }
0x85: {  	_ =	shalt  }
0x86: {  	_ =	shalt  }
0x87: {  	_ =	shalt  }
.Lfunc_end0:
.L_simem_size_0:
called_computation_lowered:
.L_overlay_start_0:
0x88: {  	s2 =	sld [smem:$0x3FD9]  }
0x89: {  	s3 =	sld [smem:$0x3FFE];
	_ =	sdelay $0x1  }
0x8a: {  	s1 =	srdreg.scid  }
0x8b: {  	s0 =	sand.u32 $0x1, s1  }
0x8c: {  	s16 =	sshll.u32 s0, $0xA;
	s2 =	sadd.s32 s3, s2  }
0x8d: {  	s2 =	sadd.s32 s2, s16  }
0x8e: {  	[smem:$0x3FC6] =	sst s2  }
0x8f: {  	_ = 	snop  }
0x90: {  	(tm) =	ssettm $0x1  }
0x91: {  	s17 =	sld [smem:$0x3FFB];
	_ =	sdelay $0x3  }
0x92: {  	_ =	strace s17  }
0x93: {  	s2 =	sld [smem:$0x3FFC];
	_ =	sdelay $0x3  }
0x94: {  	_ =	strace s2  }
0x95: {  	s2 =	sld [smem:$0x3FFD];
	_ =	sdelay $0x3  }
0x96: {  	_ =	strace s2  }
0x97: {  	_ =	strace $0x8FFFFFFF  }
0x98: {  	s18 =	sld [smem:$0x3FDB];
	_ =	sdelay $0x1  }
0x99: {  	s19 =	simm.s32 $_scs_section_size  }
0x9a: {  	s4 =	simm.s32 $_size__tile_overlayer_lowered;
	s5 =	simm.s32 $_tile_overlayer_lowered  }
0x9b: {  	s22 =	simm.s32 $0x1BFF;
	s21 =	sshll.u32 s5, $0x1;
	s2 =	sadd.s32 s19, s18  }
0x9c: {  	s6 =	simm.s32 $0x0;
	s20 =	sshll.u32 s4, $0x1;
	s4 =	sadd.s32 s21, s2  }
0x9d: {  	[timem:s6], [sflag:s22] =	dma.local [hbm:s4], s20  }
0x9e: {  	_ =	swait.ge [sflag:s22], s20  }
0x9f: {  	s3 =	ssub.s32 $0x0, s20;
	[sflag:s22] =	ssyncset.done $0x0  }
0xa0: {  	[sflag:s22] =	ssyncadd.s32 s3;
	_ =	sdelay $0x1  }
0xa1: {  	s23 =	simm.s32 $0x1B8B  }
0xa2: {  	_ =	swait.ge [sflag:s23], $0x1  }
0xa3: {  	[sflag:s23] =	ssyncset.done $0x0  }
0xa4: {  	s25 =	simm.s32 $0x1B8E;
	s24 =	sld [smem:$0x3FFE];
	[sflag:s23] =	ssyncadd.s32 $0xFFFFFFFF  }
0xa5: {  	s26 =	simm.s32 $execute0_lowered;
	[smem:$0x3FD2] =	sst s25  }
0xa6: {  	s4 =	sshll.u32 s26, $0x1;
	_ =	strace $0x80000046;
	[dreg:$0x1] =	wrdreg $0xFFFFFFFF  }
0xa7: {  	s28 =	simm.s32 $_size_execute0_lowered;
	s2 =	sadd.s32 s2, s4;
	[dreg:$0x0] =	wrdreg $0x0  }
0xa8: {  	s4 =	sshll.u32 s28, $0x1;
	[dreg:$0x2] =	wrdreg s2  }
0xa9: {  	[dreg:$0x3] =	wrdreg s4  }
0xaa: {  	[dreg:$0x4] =	wrdreg $0xC0  }
0xab: {  	_ =	task [dreg:s6], $0x5FFFF  }
0xac: {  	[dreg:$0x1] =	wrdreg $0xFFFFFFFF  }
0xad: {  	[dreg:$0x0] =	wrdreg $0x60  }
0xae: {  	[dreg:$0x2] =	wrdreg s24  }
0xaf: {  	[dreg:$0x3] =	wrdreg $0x9  }
0xb0: {  	_ =	task.clear_ibuf [dreg:s6], $0x4FFFF;
	_ =	strace $0x90000046  }
0xb1: {  	s29 =	simm.s32 $0x9;
	_ =	strace $0x80000048  }
0xb2: {  	_ =	swait.ge [sflag:s29], $0x1  }
0xb3: {  	[sflag:s29] =	ssyncadd.s32 $0xFFFFFFFF  }
0xb4: {  	_ =	strace $0x90000048  }
0xb5: {  	_ =	sfence  }
0xb6: {  	s30 =	sld [smem:$0x0];
	_ =	sdelay $0x2  }
0xb7: {  	s31 =	sshll.u32 s1, $0xD;
	s1 =	sshrl.u32 s1, $0x2  }
0xb8: {  	s3 =	sand.u32 $0x4000, s31;
	s1 =	sadd.s32 s1, s30  }
0xb9: {  	s0 =	sor.u32 s3, s0;
	s1 =	sshll.u32 s1, $0x11  }
0xba: {  	s0 =	sor.u32 s1, s0  }
0xbb: {  	s0 =	sadd.s32 $0x8F2B, s0  }
0xbc: {  	[sflag:s0] =	ssyncadd.remote.s32 $0x1  }
0xbd: {  	_ =	sfence.sel $0xFFFF  }
0xbe: {  	[dreg:$0x0] =	wrdreg $0xFFFFFFFF;
	(pc) =	sbr.abs _section_cstart, $3  }
0xbf: {  	[dreg:$0x1] =	wrdreg $0xFFFFFFFF  }
0xc0: {  	_ =	task.clear_ibuf [dreg:s6], $0x2FFFF;
	_ =	strace $0x9FFFFFFF  }
0xc1: {  	(tm) =	ssettm $0x7FFFFFFF  }
tec
execute0_lowered:
.L_overlay_start_1:
0x0: {  	(tag) =	ssettag $0x1  }
0x1: {  	s1 =	srdreg.scid;
	s0 =	stileid.u32  }
0x2: {  	s5 =	rddreg [dreg:$0x0];
	s2 =	simm.s32 $0x0;
	s10 =	simm.s32 $0x180  }
0x3: {  	s11 =	simm.s32 $0x3180;
	s12 =	simm.s32 $0x100;
	s13 =	simm.s32 $0x6180  }
0x4: {  	s14 =	simm.s32 $0x1;
	s15 =	simm.s32 $0x9180;
	s16 =	simm.s32 $0x0  }
0x5: {  	s3 =	sand.u32 $0x1, s1;
	s4 =	sshll.u32 s0, $0x1;
	s1 =	rddreg [dreg:$0x1]  }
0x6: {  	[smem:$0x7FF] =	sst s2;
	s6 =	sor.u32 s3, s4;
	s8 =	ssub.s32 $0x2, s3  }
0x7: {  	_ =	strace $0x80000047;
	s7 =	smul.u32 $0xC, s6;
	s9 =	sshrl.u32 s8, $0x1  }
0x8: {  	s3 =	sadd.s32 $0x186C00, s5;
	s4 =	sadd.s32 $0x200, s5;
	s8 =	ssub.s32 s8, s9  }
0x9: {  	s9 =	simm.s32 $0x80;
	s7 =	sadd.s32 s7, s5;
	s5 =	smul.u32 $0x4B00, s6  }
0xa: {  	s6 =	sadd.s32 $0x12E00, s7;
	s7 =	smax.u32 s8, $0x1;
	s8 =	simm.s32 $0x2  }
.LBB2_1:
0xb: {  	v0 =	vimm.f32 $0.0e+00;
	v1 =	vimm.f32 $0.0e+00;
	v2 =	vimm.f32 $0.0e+00  }
0xc: {  	v3 =	vimm.f32 $0.0e+00;
	v4 =	vimm.f32 $0.0e+00;
	v5 =	vimm.f32 $0.0e+00;
	s17 =	simm.s32 $0x0  }
.LBB2_2:
0xd: {  	s18 =	smul.u32 $0x180, s17;
	_ =	sdelay $0x1  }
0xe: {  	s18 =	sadd.s32 s5, s18  }
0xf: {  	s18 =	sshrl.u32 s18, $0x3  }
0x10: {  	s19 =	simm.s32 $0x0;
	s18 =	sadd.s32 s4, s18  }
0x11: {  	[tilespmem:s19], [sflag:$0x2] =	stream.linear.gather [hbm4b:s18+s19], $0x180, $0x38;
	[tilespmem:$0x91E0] =	vst v63  }
0x12: {  	_ =	swait.ge [sflag:s8], $0x180  }
0x13: {  	[sflag:s8] =	ssyncset.done $0x0  }
0x14: {  	[sflag:s8] =	ssyncadd.s32 $0xFFFFFE80  }
0x15: {  	[tilespmem:s10], [sflag:$0x1] =	stream.indirect.gather [hbm4b:s3+s9], $0x60, s19, s9, $0xb8;
	[tilespmem:$0x91E0] =	vst v63  }
0x16: {  	_ = 	snop  }
0x17: {  	[tilespmem:s11], [sflag:$0x1] =	stream.indirect.gather [hbm4b:s3+s9], $0x60, s9, s9, $0xb8;
	[tilespmem:$0x91E0] =	vst v63  }
0x18: {  	_ = 	snop  }
0x19: {  	[tilespmem:s13], [sflag:$0x1] =	stream.indirect.gather [hbm4b:s3+s9], $0x60, s12, s9, $0xb8;
	[tilespmem:$0x91E0] =	vst v63  }
0x1a: {  	_ =	swait.ge [sflag:s14], $0x3000  }
0x1b: {  	[sflag:s14] =	ssyncset.done $0x0  }
0x1c: {  	[sflag:s14] =	ssyncadd.s32 $0xFFFFD000  }
0x1d: {  	_ =	swait.ge [sflag:s14], $0x3000  }
0x1e: {  	[sflag:s14] =	ssyncset.done $0x0  }
0x1f: {  	[sflag:s14] =	ssyncadd.s32 $0xFFFFD000  }
0x20: {  	_ =	swait.ge [sflag:s14], $0x3000  }
0x21: {  	[sflag:s14] =	ssyncset.done $0x0  }
0x22: {  	s31 =	simm.s32 $0x0;
	[sflag:s14] =	ssyncadd.s32 $0xFFFFD000  }
0x23: {  	v7 =	vld [tilespmem:s31+$0x290]  }
0x24: {  	v11 =	vld [tilespmem:s31+$0x270]  }
0x25: {  	v10 =	vld [tilespmem:s31+$0x230]  }
0x26: {  	v14 =	vld [tilespmem:s31+$0x210]  }
0x27: {  	v8 =	vld [tilespmem:s31+$0x280]  }
0x28: {  	v12 =	vld [tilespmem:s31+$0x1D0]  }
0x29: {  	v6 =	vld [tilespmem:s31+$0x1A0]  }
0x2a: {  	v9 =	vld [tilespmem:s31+$0x240]  }
0x2b: {  	v18 =	vld [tilespmem:s31+$0x1B0]  }
0x2c: {  	v22 =	vld [tilespmem:s31+$0x220]  }
0x2d: {  	v15 =	vld [tilespmem:s31+$0x1C0]  }
0x2e: {  	v16 =	vld [tilespmem:s31+$0x260]  }
0x2f: {  	v13 =	vsub.f32 v7, v12;
	v19 =	vsub.f32 v10, v12;
	v12 =	vld [tilespmem:s31+$0x1E0]  }
0x30: {  	v17 =	vld [tilespmem:s31+$0x180];
	v7 =	vsub.f32 v10, v7;
	v20 =	vsub.f32 v14, v11  }
0x31: {  	v10 =	vld [tilespmem:s31+$0x200];
	v21 =	vsub.f32 v11, v18;
	v13 =	vand.u32 $0x7FFFFFFF, v13;
	v19 =	vand.u32 $0x7FFFFFFF, v19  }
0x32: {  	v11 =	vld [tilespmem:s31+$0x1F0];
	v23 =	vsub.f32 v14, v18;
	v19 =	vadd.f32 v13, v19  }
0x33: {  	v14 =	vld [tilespmem:s31+$0x250];
	v24 =	vand.u32 $0x7FFFFFFF, v7;
	v7 =	vsub.f32 v22, v8;
	v22 =	vsub.f32 v22, v15  }
0x34: {  	s18 =	simm.s32 $0x480;
	v20 =	vand.u32 $0x7FFFFFFF, v20;
	v13 =	vld [tilespmem:s31+$0x190];
	v19 =	vadd.f32 v19, v24;
	v18 =	vsub.f32 v12, v9  }
.LBB2_3:
0x35: {  	s19 =	sshra.s32 s18, $0x2;
	p0 =	sne.s32 s18, $0x23B80;
	s18 =	sadd.s32 $0x480, s18;
	v24 =	vsub.f32 v16, v6;
	v21 =	vand.u32 $0x7FFFFFFF, v21;
	v8 =	vsub.f32 v8, v15  }
0x36: {  	v9 =	vsub.f32 v9, v17;
	v15 =	vand.u32 $0x7FFFFFFF, v23;
	v25 =	vld [tilespmem:s19+$0x290];
	v16 =	vsub.f32 v10, v16  }
0x37: {  	v15 =	vadd.f32 v21, v15;
	v23 =	vld [tilespmem:s19+$0x270];
	v24 =	vand.u32 $0x7FFFFFFF, v24;
	v8 =	vand.u32 $0x7FFFFFFF, v8  }
0x38: {  	v12 =	vsub.f32 v12, v17;
	v0 =	vadd.f32 v19, v0;
	v17 =	vand.u32 $0x7FFFFFFF, v22;
	v21 =	vld [tilespmem:s19+$0x230]  }
0x39: {  	v9 =	vand.u32 $0x7FFFFFFF, v9;
	v20 =	vadd.f32 v15, v20;
	v17 =	vadd.f32 v8, v17;
	v19 =	vld [tilespmem:s19+$0x210]  }
0x3a: {  	v12 =	vand.u32 $0x7FFFFFFF, v12;
	v15 =	vsub.f32 v11, v13;
	v13 =	vsub.f32 v14, v13;
	v8 =	vld [tilespmem:s19+$0x280]  }
0x3b: {  	v18 =	vand.u32 $0x7FFFFFFF, v18;
	v10 =	vsub.f32 v10, v6;
	v12 =	vadd.f32 v9, v12;
	v22 =	vld [tilespmem:s19+$0x1D0]  }
0x3c: {  	v11 =	vsub.f32 v11, v14;
	v15 =	vand.u32 $0x7FFFFFFF, v15;
	v13 =	vand.u32 $0x7FFFFFFF, v13;
	v6 =	vld [tilespmem:s19+$0x1A0]  }
0x3d: {  	v10 =	vand.u32 $0x7FFFFFFF, v10;
	v12 =	vadd.f32 v12, v18;
	v9 =	vld [tilespmem:s19+$0x240];
	v14 =	vsub.f32 v21, v25  }
0x3e: {  	v10 =	vadd.f32 v24, v10;
	v18 =	vld [tilespmem:s19+$0x1B0];
	v26 =	vsub.f32 v19, v23  }
0x3f: {  	v11 =	vand.u32 $0x7FFFFFFF, v11;
	v5 =	vadd.f32 v12, v5;
	v13 =	vadd.f32 v13, v15;
	v24 =	vld [tilespmem:s19+$0x220]  }
0x40: {  	v2 =	vadd.f32 v20, v2;
	v12 =	vand.u32 $0x7FFFFFFF, v16;
	v15 =	vld [tilespmem:s19+$0x1C0];
	v25 =	vsub.f32 v25, v22  }
0x41: {  	v7 =	vand.u32 $0x7FFFFFFF, v7;
	v10 =	vadd.f32 v10, v12;
	v20 =	vsub.f32 v21, v22;
	v16 =	vld [tilespmem:s19+$0x260]  }
0x42: {  	v11 =	vadd.f32 v13, v11;
	v12 =	vld [tilespmem:s19+$0x1E0];
	v22 =	vand.u32 $0x7FFFFFFF, v25;
	v25 =	vadd.f32 v17, v7  }
.Ltmp0:
0x43: {  	v3 =	vadd.f32 v10, v3;
	v7 =	vand.u32 $0x7FFFFFFF, v20;
	v17 =	vld [tilespmem:s19+$0x180];
	v21 =	vsub.f32 v23, v18;
	(pc) =	sbr.rel @p0 .LBB2_3-.Ltmp0, $4  }
0x44: {  	v14 =	vand.u32 $0x7FFFFFFF, v14;
	v4 =	vadd.f32 v11, v4;
	v20 =	vadd.f32 v22, v7;
	v10 =	vld [tilespmem:s19+$0x200]  }
0x45: {  	v7 =	vsub.f32 v24, v8;
	v1 =	vadd.f32 v25, v1;
	v13 =	vld [tilespmem:s19+$0x190]  }
0x46: {  	v23 =	vsub.f32 v19, v18;
	v19 =	vadd.f32 v20, v14;
	v11 =	vld [tilespmem:s19+$0x1F0]  }
0x47: {  	v20 =	vand.u32 $0x7FFFFFFF, v26;
	v22 =	vsub.f32 v24, v15;
	v18 =	vsub.f32 v12, v9;
	v14 =	vld [tilespmem:s19+$0x250]  }
0x48: {  	v24 =	vsub.f32 v16, v6;
	v21 =	vand.u32 $0x7FFFFFFF, v21;
	v8 =	vsub.f32 v8, v15  }
0x49: {  	v9 =	vsub.f32 v9, v17;
	v54 =	vand.u32 $0x7FFFFFFF, v23;
	v12 =	vsub.f32 v12, v17  }
0x4a: {  	v0 =	vadd.f32 v19, v0;
	v7 =	vand.u32 $0x7FFFFFFF, v7;
	v53 =	vsub.f32 v10, v16  }
0x4b: {  	v16 =	vadd.f32 v21, v54;
	v57 =	vand.u32 $0x7FFFFFFF, v22;
	v6 =	vsub.f32 v10, v6  }
0x4c: {  	v59 =	vand.u32 $0x7FFFFFFF, v18;
	v55 =	vand.u32 $0x7FFFFFFF, v24;
	v9 =	vand.u32 $0x7FFFFFFF, v9  }
0x4d: {  	v12 =	vand.u32 $0x7FFFFFFF, v12;
	v16 =	vadd.f32 v16, v20;
	v56 =	vsub.f32 v11, v13  }
0x4e: {  	v8 =	vand.u32 $0x7FFFFFFF, v8;
	v9 =	vadd.f32 v9, v12;
	v58 =	vsub.f32 v14, v13  }
0x4f: {  	s17 =	sadd.s32 $0x1, s17;
	v8 =	vadd.f32 v8, v57;
	v6 =	vand.u32 $0x7FFFFFFF, v6;
	v61 =	vsub.f32 v11, v14  }
0x50: {  	p0 =	sne.s32 s17, $0x32;
	v6 =	vadd.f32 v55, v6;
	v60 =	vand.u32 $0x7FFFFFFF, v56;
	v10 =	vand.u32 $0x7FFFFFFF, v58  }
.Ltmp1:
0x51: {  	v63 =	vand.u32 $0x7FFFFFFF, v53;
	v9 =	vadd.f32 v9, v59;
	v62 =	vadd.f32 v10, v60;
	(pc) =	sbr.rel @p0 .LBB2_2-.Ltmp1, $4  }
0x52: {  	v7 =	vadd.f32 v8, v7;
	v11 =	vand.u32 $0x7FFFFFFF, v61;
	v6 =	vadd.f32 v6, v63  }
0x53: {  	v5 =	vadd.f32 v9, v5;
	v9 =	vadd.f32 v62, v11  }
0x54: {  	v2 =	vadd.f32 v16, v2;
	v1 =	vadd.f32 v7, v1  }
0x55: {  	v3 =	vadd.f32 v6, v3;
	v4 =	vadd.f32 v9, v4  }
0x56: {  	[tilespmem:$0x9180] =	vst v5  }
0x57: {  	[tilespmem:$0x91B0] =	vst v2  }
0x58: {  	[tilespmem:$0x91C0] =	vst v1  }
0x59: {  	[tilespmem:$0x91D0] =	vst v0;
	s16 =	sadd.s32 $0x1, s16  }
0x5a: {  	[tilespmem:$0x9190] =	vst v4;
	p0 =	sne.s32 s16, s7  }
.Ltmp2:
0x5b: {  	[tilespmem:$0x91A0] =	vst v3;
	(pc) =	sbr.rel @p0 .LBB2_1-.Ltmp2, $4  }
0x5c: {  	[hbm4b:s6+s2] =	stream.linear.scatter [tilespmem:s15], [sflag:$0x2], $0x60, $0x38;
	[tilespmem:$0x91E0] =	vst v63  }
0x5d: {  	_ =	swait.ge [sflag:s8], $0x60  }
0x5e: {  	[sflag:s8] =	ssyncset.done $0x0  }
0x5f: {  	[sflag:s8] =	ssyncadd.s32 $0xFFFFFFA0  }
0x60: {  	_ =	sfence.sel $0x180000  }
0x61: {  	[bflag:$0x0] =	sbarrier.arrive $0xFFFF  }
0x62: {  	p0 =	sne.s32 s0, $0x0;
	_ =	strace $0x90000047  }
0x63: {  	s0 =	sadd.s32 @!p0 $0x100000, s1;
	[bflag:$0x2] =	sbarrier.arrive $0xFFFF  }
0x64: {  	[sflag:s0] =	ssyncadd.tile.s32 @!p0 $0x1;
	_ =	shalt  }
.Lfunc_end2:
_tile_overlayer_lowered:
.L_overlay_start_2:
0x65: {  	(tag) =	ssettag $0x2  }
0x66: {  	s0 =	rddreg [dreg:$0x0];
	s2 =	stileid.u32  }
0x67: {  	s1 =	rddreg [dreg:$0x1];
	p0 =	sne.s32 s2, $0x0  }
0x68: {  	s3 =	rddreg [dreg:$0x2];
	[bflag:$0x3] =	sbarrier.arrive $0xFFFF;
	s2 =	simm.s32 @!p0 $0x1C02  }
0x69: {  	[timem:s3], [sflag:s2] =	dma.local @!p0 [hbm:s0], s1  }
0x6a: {  	s0 =	simm.s32 @!p0 $0x2  }
0x6b: {  	_ =	swait.ge @!p0 [sflag:s0], s1  }
0x6c: {  	s1 =	ssub.s32 @!p0 $0x0, s1;
	[sflag:s0] =	ssyncset.done @!p0 $0x0  }
0x6d: {  	[sflag:s0] =	ssyncadd.s32 @!p0 s1  }
0x6e: {  	[bflag:$0x3] =	sbarrier.arrive $0xFFFF  }
0x6f: {  	_ =	shalt  }

</sc_bundles>
